<compile_context>
chip_gen: v7x
topology: tpu7x:2x2x1
jax: 0.10.2.dev20260603
libtpu: 0.0.44.dev20260713+nightly
codegen_flags: <defaults>
</compile_context>

<pallas_src>
import functools

import jax
import jax.numpy as jnp
from jax import lax
from jax.experimental import pallas as pl
from jax.experimental.pallas import tpu as pltpu
from jax.experimental.pallas import tpu_sc as plsc

_B = 64
_J = 19
_W = 4096
_NW = 32


def _fi_of(j):
    return jnp.where(
        j < 4, j ^ 2,
        jnp.where(
            j == 4, j,
            jnp.where(
                j < 7, j ^ 3,
                jnp.where(
                    j == 7, j,
                    jnp.where(
                        j < 12, j ^ 1,
                        jnp.where(j == 12, j, ((j - 13) ^ 1) + 13))))))


def _is_rev(j):
    return (j == 4) | (j == 7) | (j == 12)


def _flip_image(inbuf, outbuf, sign):
    sgn = jnp.full((16,), 1.0, jnp.float32) * sign

    def chunk(v, _):
        x = inbuf[pl.ds((v ^ 3) * 16, 16)]
        outbuf[pl.ds(v * 16, 16)] = lax.rev(x, (0,)) * sgn
        return _

    lax.fori_loop(0, _W // 16, chunk, None)


def _sc_hflip(f0, f1, f2):
    mesh = plsc.VectorSubcoreMesh(core_axis_name="c", subcore_axis_name="s")
    img = jnp.float32

    @functools.partial(
        pl.kernel,
        out_type=(
            jax.ShapeDtypeStruct((_B * _J * _W,), img),
            jax.ShapeDtypeStruct((_B * _J * 2 * _W,), img),
            jax.ShapeDtypeStruct((_B * _J * 2 * _W,), img),
        ),
        mesh=mesh,
        scratch_types=(
            pltpu.VMEM((_W,), img),
            pltpu.VMEM((_W,), img),
        ),
    )
    def k(f0h, f1h, f2h, o0h, o1h, o2h, inbuf, outbuf):
        wid = lax.axis_index("c") * 16 + lax.axis_index("s")

        def copy_flip(src_hbm, src_off, dst_hbm, dst_off, sign):
            pltpu.sync_copy(src_hbm.at[pl.ds(src_off * _W, _W)], inbuf)
            _flip_image(inbuf, outbuf, sign)
            pltpu.sync_copy(outbuf, dst_hbm.at[pl.ds(dst_off * _W, _W)])

        def per_b(b_i, _):
            b = wid * 2 + b_i

            def per_j0(j, _):
                copy_flip(f0h, b * _J + _fi_of(j), o0h, b * _J + j, 1.0)
                return _

            lax.fori_loop(0, _J, per_j0, None)

            def per_jc(t, _):
                j = t >> 1
                c = t & 1
                fj = _fi_of(j)
                sign = jnp.where(c == 0, -1.0, 1.0).astype(jnp.float32)
                src = (b * _J + fj) * 2 + c
                dst = (b * _J + j) * 2 + c
                rev = _is_rev(j)

                @pl.when(jnp.logical_not(rev))
                def _fwd():
                    copy_flip(f1h, src, o1h, dst, sign)
                    copy_flip(f2h, src, o2h, dst, sign)

                @pl.when(rev)
                def _swp():
                    copy_flip(f2h, src, o1h, dst, sign)
                    copy_flip(f1h, src, o2h, dst, sign)

                return _

            lax.fori_loop(0, _J * 2, per_jc, None)
            return _

        lax.fori_loop(0, 2, per_b, None)

    return k(f0, f1, f2)


def kernel(field0, field1, field2):
    o0, o1, o2 = _sc_hflip(
        field0.reshape(-1), field1.reshape(-1), field2.reshape(-1))
    return (
        o0.reshape(field0.shape),
        o1.reshape(field1.shape),
        o2.reshape(field2.shape),
    )

# --- scband reference (transcript-rebuilt; emitter-appended) ---
"""Pipeline reference for scband-paf-hflip-1726576857467 (READ-ONLY COPY).

The authoritative reference and input builder live on the scoring server;
editing this copy changes nothing except your own understanding.
"""

import jax, jax.numpy as jnp
import numpy as np

KEYPOINTS = ['nose', 'left_eye', 'right_eye', 'left_ear', 'right_ear', 'left_shoulder', 'right_shoulder', 'left_elbow', 'right_elbow', 'left_wrist', 'right_wrist', 'left_hip', 'right_hip', 'left_knee', 'right_knee', 'left_ankle', 'right_ankle']
SKELETON = [(16, 14), (14, 12), (17, 15), (15, 13), (12, 13), (6, 12), (7, 13), (6, 7), (6, 8), (7, 9), (8, 10), (9, 11), (2, 3), (1, 2), (1, 3), (2, 4), (3, 5), (4, 6), (5, 7)]
HFLIP = {'left_eye': 'right_eye', 'right_eye': 'left_eye', 'left_ear': 'right_ear', 'right_ear': 'left_ear', 'left_shoulder': 'right_shoulder', 'right_shoulder': 'left_shoulder', 'left_elbow': 'right_elbow', 'right_elbow': 'left_elbow', 'left_wrist': 'right_wrist', 'right_wrist': 'left_wrist', 'left_hip': 'right_hip', 'right_hip': 'left_hip', 'left_knee': 'right_knee', 'right_knee': 'left_knee', 'left_ankle': 'right_ankle', 'right_ankle': 'left_ankle'}

def _compute_indices():
    skeleton_names = [(KEYPOINTS[j1 - 1], KEYPOINTS[j2 - 1]) for j1, j2 in SKELETON]
    flipped = [(HFLIP.get(n1, n1), HFLIP.get(n2, n2)) for n1, n2 in skeleton_names]
    flip_indices = list(range(len(SKELETON)))
    reverse_direction = []
    for paf_i, (n1, n2) in enumerate(skeleton_names):
        if (n1, n2) in flipped:
            flip_indices[paf_i] = flipped.index((n1, n2))
        if (n2, n1) in flipped:
            flip_indices[paf_i] = flipped.index((n2, n1))
            reverse_direction.append(paf_i)
    return flip_indices, reverse_direction

FLIP_INDICES, REVERSE_DIRECTION = _compute_indices()

def setup_inputs(seed: int = 0) -> dict:
    key = jax.random.key(seed)
    k0, k1, k2 = jax.random.split(key, 3)
    return {
        'field0': jax.random.normal(k0, (64, 19, 64, 64), dtype=jnp.float32),
        'field1': jax.random.normal(k1, (64, 19, 2, 64, 64), dtype=jnp.float32),
        'field2': jax.random.normal(k2, (64, 19, 2, 64, 64), dtype=jnp.float32),
    }

def reference(field0, field1, field2):
    fi = jnp.array(FLIP_INDICES, dtype=jnp.int32)
    o0 = jnp.flip(jnp.take(field0, fi, axis=1), axis=-1)
    o1 = jnp.flip(jnp.take(field1, fi, axis=1), axis=-1)
    o2 = jnp.flip(jnp.take(field2, fi, axis=1), axis=-1)
    o1 = o1.at[:, :, 0, :, :].multiply(-1.0)
    o2 = o2.at[:, :, 0, :, :].multiply(-1.0)
    if REVERSE_DIRECTION:
        rev = jnp.array(REVERSE_DIRECTION, dtype=jnp.int32)
        t1 = jnp.take(o1, rev, axis=1)
        t2 = jnp.take(o2, rev, axis=1)
        o1 = o1.at[:, rev].set(t2)
        o2 = o2.at[:, rev].set(t1)
    return (o0, o1, o2)

if __name__ == "__main__":
    import jax
    _d = setup_inputs()
    print(jax.jit(kernel)(*tuple(_d.values())))

</pallas_src>

<mosaic_0001>
#map = affine_map<(d0, d1) -> (0)>
module attributes {stable_mosaic.version = 14 : i64} {
  func.func @k(%arg0: i32, %arg1: i32, %arg2: memref<4980736xf32, #tpu.memory_space<hbm>>, %arg3: memref<9961472xf32, #tpu.memory_space<hbm>>, %arg4: memref<9961472xf32, #tpu.memory_space<hbm>>, %arg5: memref<4980736xf32, #tpu.memory_space<hbm>>, %arg6: memref<9961472xf32, #tpu.memory_space<hbm>>, %arg7: memref<9961472xf32, #tpu.memory_space<hbm>>, %arg8: memref<4096xf32, #tpu.memory_space<vmem>>, %arg9: memref<4096xf32, #tpu.memory_space<vmem>>) attributes {dimension_semantics = [#tpu.dimension_semantics<core_parallel>, #tpu.dimension_semantics<subcore_parallel>], iteration_bounds = array<i64: 2, 16>, scalar_prefetch = 0 : i64, scratch_operands = 2 : i64, tpu.core_type = #tpu.core_type<sc_vector_subcore>, window_params = [{transform_indices = #map}, {transform_indices = #map}, {transform_indices = #map}, {transform_indices = #map}, {transform_indices = #map}, {transform_indices = #map}]} {
    %mul3A = arith.constant 16 : i32
    %mul3A_0 = arith.muli %arg0, %mul3A : i32
    %add3A = arith.addi %mul3A_0, %arg1 : i32
    %scan3A = arith.constant 0 : i32
    %scan3A_1 = arith.constant 2 : i32
    %scan3A_2 = arith.addi %scan3A, %scan3A_1 : i32
    %scan3A_3 = arith.constant 1 : i32
    scf.for %scan3A_5 = %scan3A to %scan3A_2 step %scan3A_3  : i32 {
      %mul3A_6 = arith.constant 2 : i32
      %mul3A_7 = arith.muli %add3A, %mul3A_6 : i32
      %add3A_8 = arith.addi %mul3A_7, %scan3A_5 : i32
      %scan3A_9 = arith.constant 0 : i32
      %scan3A_10 = arith.constant 19 : i32
      %scan3A_11 = arith.addi %scan3A_9, %scan3A_10 : i32
      %scan3A_12 = arith.constant 1 : i32
      scf.for %scan3A_19 = %scan3A_9 to %scan3A_11 step %scan3A_12  : i32 {
        %mul3A_20 = arith.constant 19 : i32
        %mul3A_21 = arith.muli %add3A_8, %mul3A_20 : i32
        %lt3A = arith.constant 4 : i32
        %lt3A_22 = arith.cmpi slt, %scan3A_19, %lt3A : i32
        %xor3A = arith.constant 2 : i32
        %xor3A_23 = arith.xori %scan3A_19, %xor3A : i32
        %eq3A = arith.constant 4 : i32
        %eq3A_24 = arith.cmpi eq, %scan3A_19, %eq3A : i32
        %lt3A_25 = arith.constant 7 : i32
        %lt3A_26 = arith.cmpi slt, %scan3A_19, %lt3A_25 : i32
        %xor3A_27 = arith.constant 3 : i32
        %xor3A_28 = arith.xori %scan3A_19, %xor3A_27 : i32
        %eq3A_29 = arith.constant 7 : i32
        %eq3A_30 = arith.cmpi eq, %scan3A_19, %eq3A_29 : i32
        %lt3A_31 = arith.constant 12 : i32
        %lt3A_32 = arith.cmpi slt, %scan3A_19, %lt3A_31 : i32
        %xor3A_33 = arith.constant 1 : i32
        %xor3A_34 = arith.xori %scan3A_19, %xor3A_33 : i32
        %eq3A_35 = arith.constant 12 : i32
        %eq3A_36 = arith.cmpi eq, %scan3A_19, %eq3A_35 : i32
        %sub3A = arith.constant 13 : i32
        %sub3A_37 = arith.subi %scan3A_19, %sub3A : i32
        %xor3A_38 = arith.constant 1 : i32
        %xor3A_39 = arith.xori %sub3A_37, %xor3A_38 : i32
        %add3A_40 = arith.constant 13 : i32
        %add3A_41 = arith.addi %xor3A_39, %add3A_40 : i32
        %select_n3A = arith.select %eq3A_36, %scan3A_19, %add3A_41 : i32
        %select_n3A_42 = arith.select %lt3A_32, %xor3A_34, %select_n3A : i32
        %select_n3A_43 = arith.select %eq3A_30, %scan3A_19, %select_n3A_42 : i32
        %select_n3A_44 = arith.select %lt3A_26, %xor3A_28, %select_n3A_43 : i32
        %select_n3A_45 = arith.select %eq3A_24, %scan3A_19, %select_n3A_44 : i32
        %select_n3A_46 = arith.select %lt3A_22, %xor3A_23, %select_n3A_45 : i32
        %add3A_47 = arith.addi %mul3A_21, %select_n3A_46 : i32
        %mul3A_48 = arith.constant 19 : i32
        %mul3A_49 = arith.muli %add3A_8, %mul3A_48 : i32
        %add3A_50 = arith.addi %mul3A_49, %scan3A_19 : i32
        %mul3A_51 = arith.constant 4096 : i32
        %mul3A_52 = arith.muli %add3A_47, %mul3A_51 : i32
        "tpu.region"() ({
          %run_scoped3A = tpu.sem_alloc : memref<!tpu.dma_semaphore, #tpu.memory_space<semaphore_mem>>
          %dma_start3A = tpu.memref_slice %arg2[%mul3A_52] : memref<4980736xf32, #tpu.memory_space<hbm>> -> memref<4096xf32, #tpu.memory_space<hbm>>
          %dma_start3A_64 = tpu.memref_slice %arg2[%mul3A_52] : memref<4980736xf32, #tpu.memory_space<hbm>> -> memref<4096xf32, #tpu.memory_space<hbm>>
          tpu.enqueue_dma source(%dma_start3A_64 : memref<4096xf32, #tpu.memory_space<hbm>>) target(%arg8 : memref<4096xf32, #tpu.memory_space<vmem>>) target_semaphore(%run_scoped3A : memref<!tpu.dma_semaphore, #tpu.memory_space<semaphore_mem>>)
          %dma_wait3A = tpu.memref_slice %arg2[%mul3A_52] : memref<4980736xf32, #tpu.memory_space<hbm>> -> memref<4096xf32, #tpu.memory_space<hbm>>
          %dma_wait3A_65 = tpu.memref_slice %arg2[%mul3A_52] : memref<4980736xf32, #tpu.memory_space<hbm>> -> memref<4096xf32, #tpu.memory_space<hbm>>
          tpu.wait_dma2 semaphore(%run_scoped3A : memref<!tpu.dma_semaphore, #tpu.memory_space<semaphore_mem>>) src(%dma_wait3A_65 : memref<4096xf32, #tpu.memory_space<hbm>>) dst(%arg8 : memref<4096xf32, #tpu.memory_space<vmem>>)
          tpu.yield
        }) : () -> ()
        %broadcast_in_dim3A = arith.constant 1.000000e+00 : f32
        %broadcast_in_dim3A_53 = vector.broadcast %broadcast_in_dim3A : f32 to vector<16xf32>
        %mul3A_54 = arith.constant 1.000000e+00 : f32
        %mul3A_55 = vector.broadcast %mul3A_54 : f32 to vector<16xf32>
        %mul3A_56 = arith.mulf %broadcast_in_dim3A_53, %mul3A_55 : vector<16xf32>
        %scan3A_57 = arith.constant 0 : i32
        %scan3A_58 = arith.constant 256 : i32
        %scan3A_59 = arith.addi %scan3A_57, %scan3A_58 : i32
        %scan3A_60 = arith.constant 1 : i32
        scf.for %scan3A_64 = %scan3A_57 to %scan3A_59 step %scan3A_60  : i32 {
          %xor3A_65 = arith.constant 3 : i32
          %xor3A_66 = arith.xori %scan3A_64, %xor3A_65 : i32
          %mul3A_67 = arith.constant 16 : i32
          %mul3A_68 = arith.muli %xor3A_66, %mul3A_67 : i32
          %get3A = arith.index_cast %mul3A_68 : i32 to index
          %get3A_69 = tpu.vector_load %arg8[%get3A] {strides = array<i32>} : memref<4096xf32, #tpu.memory_space<vmem>>, vector<16xf32>,
          %get3A_70 = vector.shape_cast %get3A_69 : vector<16xf32> to vector<16xf32>
          %rev3A = arith.constant 15 : i32
          %rev3A_71 = vector.broadcast %rev3A : i32 to vector<16xi32>
          %rev3A_72 = tpu.iota {dimensions = array<i32: 0>} : vector<16xi32>
          %rev3A_73 = arith.subi %rev3A_71, %rev3A_72 : vector<16xi32>
          %rev3A_74 = tpu.dynamic_gather %get3A_70[%rev3A_73] in [0] : vector<16xf32>, vector<16xi32> -> vector<16xf32>
          %mul3A_75 = arith.mulf %rev3A_74, %mul3A_56 : vector<16xf32>
          %mul3A_76 = arith.constant 16 : i32
          %mul3A_77 = arith.muli %scan3A_64, %mul3A_76 : i32
          %swap3A = arith.index_cast %mul3A_77 : i32 to index
          %swap3A_78 = tpu.vector_load %arg9[%swap3A] {strides = array<i32>} : memref<4096xf32, #tpu.memory_space<vmem>>, vector<16xf32>,
          %swap3A_79 = vector.shape_cast %swap3A_78 : vector<16xf32> to vector<16xf32>
          %swap3A_80 = vector.shape_cast %mul3A_75 : vector<16xf32> to vector<16xf32>
          tpu.vector_store %arg9[%swap3A], %swap3A_80 {strides = array<i32>} : memref<4096xf32, #tpu.memory_space<vmem>>, vector<16xf32>,
        }
        %scan3A_61 = arith.constant 256 : i32
        %mul3A_62 = arith.constant 4096 : i32
        %mul3A_63 = arith.muli %add3A_50, %mul3A_62 : i32
        "tpu.region"() ({
          %run_scoped3A = tpu.sem_alloc : memref<!tpu.dma_semaphore, #tpu.memory_space<semaphore_mem>>
          %dma_start3A = tpu.memref_slice %arg5[%mul3A_63] : memref<4980736xf32, #tpu.memory_space<hbm>> -> memref<4096xf32, #tpu.memory_space<hbm>>
          %dma_start3A_64 = tpu.memref_slice %arg5[%mul3A_63] : memref<4980736xf32, #tpu.memory_space<hbm>> -> memref<4096xf32, #tpu.memory_space<hbm>>
          tpu.enqueue_dma source(%arg9 : memref<4096xf32, #tpu.memory_space<vmem>>) target(%dma_start3A_64 : memref<4096xf32, #tpu.memory_space<hbm>>) target_semaphore(%run_scoped3A : memref<!tpu.dma_semaphore, #tpu.memory_space<semaphore_mem>>)
          %dma_wait3A = tpu.memref_slice %arg5[%mul3A_63] : memref<4980736xf32, #tpu.memory_space<hbm>> -> memref<4096xf32, #tpu.memory_space<hbm>>
          %dma_wait3A_65 = tpu.memref_slice %arg5[%mul3A_63] : memref<4980736xf32, #tpu.memory_space<hbm>> -> memref<4096xf32, #tpu.memory_space<hbm>>
          tpu.wait_dma2 semaphore(%run_scoped3A : memref<!tpu.dma_semaphore, #tpu.memory_space<semaphore_mem>>) src(%arg9 : memref<4096xf32, #tpu.memory_space<vmem>>) dst(%dma_wait3A_65 : memref<4096xf32, #tpu.memory_space<hbm>>)
          tpu.yield
        }) : () -> ()
      }
      %scan3A_13 = arith.constant 19 : i32
      %scan3A_14 = arith.constant 0 : i32
      %scan3A_15 = arith.constant 38 : i32
      %scan3A_16 = arith.addi %scan3A_14, %scan3A_15 : i32
      %scan3A_17 = arith.constant 1 : i32
      scf.for %scan3A_19 = %scan3A_14 to %scan3A_16 step %scan3A_17  : i32 {
        %shift_right_arithmetic3A = arith.constant 1 : i32
        %shift_right_arithmetic3A_20 = arith.shrsi %scan3A_19, %shift_right_arithmetic3A : i32
        %and3A = arith.constant 1 : i32
        %and3A_21 = arith.andi %scan3A_19, %and3A : i32
        %lt3A = arith.constant 4 : i32
        %lt3A_22 = arith.cmpi slt, %shift_right_arithmetic3A_20, %lt3A : i32
        %xor3A = arith.constant 2 : i32
        %xor3A_23 = arith.xori %shift_right_arithmetic3A_20, %xor3A : i32
        %eq3A = arith.constant 4 : i32
        %eq3A_24 = arith.cmpi eq, %shift_right_arithmetic3A_20, %eq3A : i32
        %lt3A_25 = arith.constant 7 : i32
        %lt3A_26 = arith.cmpi slt, %shift_right_arithmetic3A_20, %lt3A_25 : i32
        %xor3A_27 = arith.constant 3 : i32
        %xor3A_28 = arith.xori %shift_right_arithmetic3A_20, %xor3A_27 : i32
        %eq3A_29 = arith.constant 7 : i32
        %eq3A_30 = arith.cmpi eq, %shift_right_arithmetic3A_20, %eq3A_29 : i32
        %lt3A_31 = arith.constant 12 : i32
        %lt3A_32 = arith.cmpi slt, %shift_right_arithmetic3A_20, %lt3A_31 : i32
        %xor3A_33 = arith.constant 1 : i32
        %xor3A_34 = arith.xori %shift_right_arithmetic3A_20, %xor3A_33 : i32
        %eq3A_35 = arith.constant 12 : i32
        %eq3A_36 = arith.cmpi eq, %shift_right_arithmetic3A_20, %eq3A_35 : i32
        %sub3A = arith.constant 13 : i32
        %sub3A_37 = arith.subi %shift_right_arithmetic3A_20, %sub3A : i32
        %xor3A_38 = arith.constant 1 : i32
        %xor3A_39 = arith.xori %sub3A_37, %xor3A_38 : i32
        %add3A_40 = arith.constant 13 : i32
        %add3A_41 = arith.addi %xor3A_39, %add3A_40 : i32
        %select_n3A = arith.select %eq3A_36, %shift_right_arithmetic3A_20, %add3A_41 : i32
        %select_n3A_42 = arith.select %lt3A_32, %xor3A_34, %select_n3A : i32
        %select_n3A_43 = arith.select %eq3A_30, %shift_right_arithmetic3A_20, %select_n3A_42 : i32
        %select_n3A_44 = arith.select %lt3A_26, %xor3A_28, %select_n3A_43 : i32
        %select_n3A_45 = arith.select %eq3A_24, %shift_right_arithmetic3A_20, %select_n3A_44 : i32
        %select_n3A_46 = arith.select %lt3A_22, %xor3A_23, %select_n3A_45 : i32
        %eq3A_47 = arith.constant 0 : i32
        %eq3A_48 = arith.cmpi eq, %and3A_21, %eq3A_47 : i32
        %jit3A = arith.constant -1.000000e+00 : f32
        %jit3A_49 = arith.constant 1.000000e+00 : f32
        %select_n3A_50 = arith.select %eq3A_48, %jit3A, %jit3A_49 : f32
        %mul3A_51 = arith.constant 19 : i32
        %mul3A_52 = arith.muli %add3A_8, %mul3A_51 : i32
        %add3A_53 = arith.addi %mul3A_52, %select_n3A_46 : i32
        %mul3A_54 = arith.constant 2 : i32
        %mul3A_55 = arith.muli %add3A_53, %mul3A_54 : i32
        %add3A_56 = arith.addi %mul3A_55, %and3A_21 : i32
        %mul3A_57 = arith.constant 19 : i32
        %mul3A_58 = arith.muli %add3A_8, %mul3A_57 : i32
        %add3A_59 = arith.addi %mul3A_58, %shift_right_arithmetic3A_20 : i32
        %mul3A_60 = arith.constant 2 : i32
        %mul3A_61 = arith.muli %add3A_59, %mul3A_60 : i32
        %add3A_62 = arith.addi %mul3A_61, %and3A_21 : i32
        %eq3A_63 = arith.constant 4 : i32
        %eq3A_64 = arith.cmpi eq, %shift_right_arithmetic3A_20, %eq3A_63 : i32
        %eq3A_65 = arith.constant 7 : i32
        %eq3A_66 = arith.cmpi eq, %shift_right_arithmetic3A_20, %eq3A_65 : i32
        %or3A = arith.ori %eq3A_64, %eq3A_66 : i1
        %eq3A_67 = arith.constant 12 : i32
        %eq3A_68 = arith.cmpi eq, %shift_right_arithmetic3A_20, %eq3A_67 : i32
        %or3A_69 = arith.ori %or3A, %eq3A_68 : i1
        %not3A = arith.constant true
        %not3A_70 = arith.xori %or3A_69, %not3A : i1
        %convert_element_type3A = arith.extui %not3A_70 : i1 to i32
        %cond3A = arith.constant 0 : i32
        %cond3A_71 = arith.cmpi ne, %convert_element_type3A, %cond3A : i32
        scf.if %cond3A_71 {
          %mul3A_75 = arith.constant 4096 : i32
          %mul3A_76 = arith.muli %add3A_56, %mul3A_75 : i32
          "tpu.region"() ({
            %run_scoped3A = tpu.sem_alloc : memref<!tpu.dma_semaphore, #tpu.memory_space<semaphore_mem>>
            %dma_start3A = tpu.memref_slice %arg3[%mul3A_76] : memref<9961472xf32, #tpu.memory_space<hbm>> -> memref<4096xf32, #tpu.memory_space<hbm>>
            %dma_start3A_100 = tpu.memref_slice %arg3[%mul3A_76] : memref<9961472xf32, #tpu.memory_space<hbm>> -> memref<4096xf32, #tpu.memory_space<hbm>>
            tpu.enqueue_dma source(%dma_start3A_100 : memref<4096xf32, #tpu.memory_space<hbm>>) target(%arg8 : memref<4096xf32, #tpu.memory_space<vmem>>) target_semaphore(%run_scoped3A : memref<!tpu.dma_semaphore, #tpu.memory_space<semaphore_mem>>)
            %dma_wait3A = tpu.memref_slice %arg3[%mul3A_76] : memref<9961472xf32, #tpu.memory_space<hbm>> -> memref<4096xf32, #tpu.memory_space<hbm>>
            %dma_wait3A_101 = tpu.memref_slice %arg3[%mul3A_76] : memref<9961472xf32, #tpu.memory_space<hbm>> -> memref<4096xf32, #tpu.memory_space<hbm>>
            tpu.wait_dma2 semaphore(%run_scoped3A : memref<!tpu.dma_semaphore, #tpu.memory_space<semaphore_mem>>) src(%dma_wait3A_101 : memref<4096xf32, #tpu.memory_space<hbm>>) dst(%arg8 : memref<4096xf32, #tpu.memory_space<vmem>>)
            tpu.yield
          }) : () -> ()
          %broadcast_in_dim3A = arith.constant 1.000000e+00 : f32
          %broadcast_in_dim3A_77 = vector.broadcast %broadcast_in_dim3A : f32 to vector<16xf32>
          %mul3A_78 = vector.broadcast %select_n3A_50 : f32 to vector<16xf32>
          %mul3A_79 = arith.mulf %broadcast_in_dim3A_77, %mul3A_78 : vector<16xf32>
          %scan3A_80 = arith.constant 0 : i32
          %scan3A_81 = arith.constant 256 : i32
          %scan3A_82 = arith.addi %scan3A_80, %scan3A_81 : i32
          %scan3A_83 = arith.constant 1 : i32
          scf.for %scan3A_100 = %scan3A_80 to %scan3A_82 step %scan3A_83  : i32 {
            %xor3A_101 = arith.constant 3 : i32
            %xor3A_102 = arith.xori %scan3A_100, %xor3A_101 : i32
            %mul3A_103 = arith.constant 16 : i32
            %mul3A_104 = arith.muli %xor3A_102, %mul3A_103 : i32
            %get3A = arith.index_cast %mul3A_104 : i32 to index
            %get3A_105 = tpu.vector_load %arg8[%get3A] {strides = array<i32>} : memref<4096xf32, #tpu.memory_space<vmem>>, vector<16xf32>,
            %get3A_106 = vector.shape_cast %get3A_105 : vector<16xf32> to vector<16xf32>
            %rev3A = arith.constant 15 : i32
            %rev3A_107 = vector.broadcast %rev3A : i32 to vector<16xi32>
            %rev3A_108 = tpu.iota {dimensions = array<i32: 0>} : vector<16xi32>
            %rev3A_109 = arith.subi %rev3A_107, %rev3A_108 : vector<16xi32>
            %rev3A_110 = tpu.dynamic_gather %get3A_106[%rev3A_109] in [0] : vector<16xf32>, vector<16xi32> -> vector<16xf32>
            %mul3A_111 = arith.mulf %rev3A_110, %mul3A_79 : vector<16xf32>
            %mul3A_112 = arith.constant 16 : i32
            %mul3A_113 = arith.muli %scan3A_100, %mul3A_112 : i32
            %swap3A = arith.index_cast %mul3A_113 : i32 to index
            %swap3A_114 = tpu.vector_load %arg9[%swap3A] {strides = array<i32>} : memref<4096xf32, #tpu.memory_space<vmem>>, vector<16xf32>,
            %swap3A_115 = vector.shape_cast %swap3A_114 : vector<16xf32> to vector<16xf32>
            %swap3A_116 = vector.shape_cast %mul3A_111 : vector<16xf32> to vector<16xf32>
            tpu.vector_store %arg9[%swap3A], %swap3A_116 {strides = array<i32>} : memref<4096xf32, #tpu.memory_space<vmem>>, vector<16xf32>,
          }
          %scan3A_84 = arith.constant 256 : i32
          %mul3A_85 = arith.constant 4096 : i32
          %mul3A_86 = arith.muli %add3A_62, %mul3A_85 : i32
          "tpu.region"() ({
            %run_scoped3A = tpu.sem_alloc : memref<!tpu.dma_semaphore, #tpu.memory_space<semaphore_mem>>
            %dma_start3A = tpu.memref_slice %arg6[%mul3A_86] : memref<9961472xf32, #tpu.memory_space<hbm>> -> memref<4096xf32, #tpu.memory_space<hbm>>
            %dma_start3A_100 = tpu.memref_slice %arg6[%mul3A_86] : memref<9961472xf32, #tpu.memory_space<hbm>> -> memref<4096xf32, #tpu.memory_space<hbm>>
            tpu.enqueue_dma source(%arg9 : memref<4096xf32, #tpu.memory_space<vmem>>) target(%dma_start3A_100 : memref<4096xf32, #tpu.memory_space<hbm>>) target_semaphore(%run_scoped3A : memref<!tpu.dma_semaphore, #tpu.memory_space<semaphore_mem>>)
            %dma_wait3A = tpu.memref_slice %arg6[%mul3A_86] : memref<9961472xf32, #tpu.memory_space<hbm>> -> memref<4096xf32, #tpu.memory_space<hbm>>
            %dma_wait3A_101 = tpu.memref_slice %arg6[%mul3A_86] : memref<9961472xf32, #tpu.memory_space<hbm>> -> memref<4096xf32, #tpu.memory_space<hbm>>
            tpu.wait_dma2 semaphore(%run_scoped3A : memref<!tpu.dma_semaphore, #tpu.memory_space<semaphore_mem>>) src(%arg9 : memref<4096xf32, #tpu.memory_space<vmem>>) dst(%dma_wait3A_101 : memref<4096xf32, #tpu.memory_space<hbm>>)
            tpu.yield
          }) : () -> ()
          %mul3A_87 = arith.constant 4096 : i32
          %mul3A_88 = arith.muli %add3A_56, %mul3A_87 : i32
          "tpu.region"() ({
            %run_scoped3A = tpu.sem_alloc : memref<!tpu.dma_semaphore, #tpu.memory_space<semaphore_mem>>
            %dma_start3A = tpu.memref_slice %arg4[%mul3A_88] : memref<9961472xf32, #tpu.memory_space<hbm>> -> memref<4096xf32, #tpu.memory_space<hbm>>
            %dma_start3A_100 = tpu.memref_slice %arg4[%mul3A_88] : memref<9961472xf32, #tpu.memory_space<hbm>> -> memref<4096xf32, #tpu.memory_space<hbm>>
            tpu.enqueue_dma source(%dma_start3A_100 : memref<4096xf32, #tpu.memory_space<hbm>>) target(%arg8 : memref<4096xf32, #tpu.memory_space<vmem>>) target_semaphore(%run_scoped3A : memref<!tpu.dma_semaphore, #tpu.memory_space<semaphore_mem>>)
            %dma_wait3A = tpu.memref_slice %arg4[%mul3A_88] : memref<9961472xf32, #tpu.memory_space<hbm>> -> memref<4096xf32, #tpu.memory_space<hbm>>
            %dma_wait3A_101 = tpu.memref_slice %arg4[%mul3A_88] : memref<9961472xf32, #tpu.memory_space<hbm>> -> memref<4096xf32, #tpu.memory_space<hbm>>
            tpu.wait_dma2 semaphore(%run_scoped3A : memref<!tpu.dma_semaphore, #tpu.memory_space<semaphore_mem>>) src(%dma_wait3A_101 : memref<4096xf32, #tpu.memory_space<hbm>>) dst(%arg8 : memref<4096xf32, #tpu.memory_space<vmem>>)
            tpu.yield
          }) : () -> ()
          %broadcast_in_dim3A_89 = arith.constant 1.000000e+00 : f32
          %broadcast_in_dim3A_90 = vector.broadcast %broadcast_in_dim3A_89 : f32 to vector<16xf32>
          %mul3A_91 = vector.broadcast %select_n3A_50 : f32 to vector<16xf32>
          %mul3A_92 = arith.mulf %broadcast_in_dim3A_90, %mul3A_91 : vector<16xf32>
          %scan3A_93 = arith.constant 0 : i32
          %scan3A_94 = arith.constant 256 : i32
          %scan3A_95 = arith.addi %scan3A_93, %scan3A_94 : i32
          %scan3A_96 = arith.constant 1 : i32
          scf.for %scan3A_100 = %scan3A_93 to %scan3A_95 step %scan3A_96  : i32 {
            %xor3A_101 = arith.constant 3 : i32
            %xor3A_102 = arith.xori %scan3A_100, %xor3A_101 : i32
            %mul3A_103 = arith.constant 16 : i32
            %mul3A_104 = arith.muli %xor3A_102, %mul3A_103 : i32
            %get3A = arith.index_cast %mul3A_104 : i32 to index
            %get3A_105 = tpu.vector_load %arg8[%get3A] {strides = array<i32>} : memref<4096xf32, #tpu.memory_space<vmem>>, vector<16xf32>,
            %get3A_106 = vector.shape_cast %get3A_105 : vector<16xf32> to vector<16xf32>
            %rev3A = arith.constant 15 : i32
            %rev3A_107 = vector.broadcast %rev3A : i32 to vector<16xi32>
            %rev3A_108 = tpu.iota {dimensions = array<i32: 0>} : vector<16xi32>
            %rev3A_109 = arith.subi %rev3A_107, %rev3A_108 : vector<16xi32>
            %rev3A_110 = tpu.dynamic_gather %get3A_106[%rev3A_109] in [0] : vector<16xf32>, vector<16xi32> -> vector<16xf32>
            %mul3A_111 = arith.mulf %rev3A_110, %mul3A_92 : vector<16xf32>
            %mul3A_112 = arith.constant 16 : i32
            %mul3A_113 = arith.muli %scan3A_100, %mul3A_112 : i32
            %swap3A = arith.index_cast %mul3A_113 : i32 to index
            %swap3A_114 = tpu.vector_load %arg9[%swap3A] {strides = array<i32>} : memref<4096xf32, #tpu.memory_space<vmem>>, vector<16xf32>,
            %swap3A_115 = vector.shape_cast %swap3A_114 : vector<16xf32> to vector<16xf32>
            %swap3A_116 = vector.shape_cast %mul3A_111 : vector<16xf32> to vector<16xf32>
            tpu.vector_store %arg9[%swap3A], %swap3A_116 {strides = array<i32>} : memref<4096xf32, #tpu.memory_space<vmem>>, vector<16xf32>,
          }
          %scan3A_97 = arith.constant 256 : i32
          %mul3A_98 = arith.constant 4096 : i32
          %mul3A_99 = arith.muli %add3A_62, %mul3A_98 : i32
          "tpu.region"() ({
            %run_scoped3A = tpu.sem_alloc : memref<!tpu.dma_semaphore, #tpu.memory_space<semaphore_mem>>
            %dma_start3A = tpu.memref_slice %arg7[%mul3A_99] : memref<9961472xf32, #tpu.memory_space<hbm>> -> memref<4096xf32, #tpu.memory_space<hbm>>
            %dma_start3A_100 = tpu.memref_slice %arg7[%mul3A_99] : memref<9961472xf32, #tpu.memory_space<hbm>> -> memref<4096xf32, #tpu.memory_space<hbm>>
            tpu.enqueue_dma source(%arg9 : memref<4096xf32, #tpu.memory_space<vmem>>) target(%dma_start3A_100 : memref<4096xf32, #tpu.memory_space<hbm>>) target_semaphore(%run_scoped3A : memref<!tpu.dma_semaphore, #tpu.memory_space<semaphore_mem>>)
            %dma_wait3A = tpu.memref_slice %arg7[%mul3A_99] : memref<9961472xf32, #tpu.memory_space<hbm>> -> memref<4096xf32, #tpu.memory_space<hbm>>
            %dma_wait3A_101 = tpu.memref_slice %arg7[%mul3A_99] : memref<9961472xf32, #tpu.memory_space<hbm>> -> memref<4096xf32, #tpu.memory_space<hbm>>
            tpu.wait_dma2 semaphore(%run_scoped3A : memref<!tpu.dma_semaphore, #tpu.memory_space<semaphore_mem>>) src(%arg9 : memref<4096xf32, #tpu.memory_space<vmem>>) dst(%dma_wait3A_101 : memref<4096xf32, #tpu.memory_space<hbm>>)
            tpu.yield
          }) : () -> ()
        } else {
        }
        %convert_element_type3A_72 = arith.extui %or3A_69 : i1 to i32
        %cond3A_73 = arith.constant 0 : i32
        %cond3A_74 = arith.cmpi ne, %convert_element_type3A_72, %cond3A_73 : i32
        scf.if %cond3A_74 {
          %mul3A_75 = arith.constant 4096 : i32
          %mul3A_76 = arith.muli %add3A_56, %mul3A_75 : i32
          "tpu.region"() ({
            %run_scoped3A = tpu.sem_alloc : memref<!tpu.dma_semaphore, #tpu.memory_space<semaphore_mem>>
            %dma_start3A = tpu.memref_slice %arg4[%mul3A_76] : memref<9961472xf32, #tpu.memory_space<hbm>> -> memref<4096xf32, #tpu.memory_space<hbm>>
            %dma_start3A_100 = tpu.memref_slice %arg4[%mul3A_76] : memref<9961472xf32, #tpu.memory_space<hbm>> -> memref<4096xf32, #tpu.memory_space<hbm>>
            tpu.enqueue_dma source(%dma_start3A_100 : memref<4096xf32, #tpu.memory_space<hbm>>) target(%arg8 : memref<4096xf32, #tpu.memory_space<vmem>>) target_semaphore(%run_scoped3A : memref<!tpu.dma_semaphore, #tpu.memory_space<semaphore_mem>>)
            %dma_wait3A = tpu.memref_slice %arg4[%mul3A_76] : memref<9961472xf32, #tpu.memory_space<hbm>> -> memref<4096xf32, #tpu.memory_space<hbm>>
            %dma_wait3A_101 = tpu.memref_slice %arg4[%mul3A_76] : memref<9961472xf32, #tpu.memory_space<hbm>> -> memref<4096xf32, #tpu.memory_space<hbm>>
            tpu.wait_dma2 semaphore(%run_scoped3A : memref<!tpu.dma_semaphore, #tpu.memory_space<semaphore_mem>>) src(%dma_wait3A_101 : memref<4096xf32, #tpu.memory_space<hbm>>) dst(%arg8 : memref<4096xf32, #tpu.memory_space<vmem>>)
            tpu.yield
          }) : () -> ()
          %broadcast_in_dim3A = arith.constant 1.000000e+00 : f32
          %broadcast_in_dim3A_77 = vector.broadcast %broadcast_in_dim3A : f32 to vector<16xf32>
          %mul3A_78 = vector.broadcast %select_n3A_50 : f32 to vector<16xf32>
          %mul3A_79 = arith.mulf %broadcast_in_dim3A_77, %mul3A_78 : vector<16xf32>
          %scan3A_80 = arith.constant 0 : i32
          %scan3A_81 = arith.constant 256 : i32
          %scan3A_82 = arith.addi %scan3A_80, %scan3A_81 : i32
          %scan3A_83 = arith.constant 1 : i32
          scf.for %scan3A_100 = %scan3A_80 to %scan3A_82 step %scan3A_83  : i32 {
            %xor3A_101 = arith.constant 3 : i32
            %xor3A_102 = arith.xori %scan3A_100, %xor3A_101 : i32
            %mul3A_103 = arith.constant 16 : i32
            %mul3A_104 = arith.muli %xor3A_102, %mul3A_103 : i32
            %get3A = arith.index_cast %mul3A_104 : i32 to index
            %get3A_105 = tpu.vector_load %arg8[%get3A] {strides = array<i32>} : memref<4096xf32, #tpu.memory_space<vmem>>, vector<16xf32>,
            %get3A_106 = vector.shape_cast %get3A_105 : vector<16xf32> to vector<16xf32>
            %rev3A = arith.constant 15 : i32
            %rev3A_107 = vector.broadcast %rev3A : i32 to vector<16xi32>
            %rev3A_108 = tpu.iota {dimensions = array<i32: 0>} : vector<16xi32>
            %rev3A_109 = arith.subi %rev3A_107, %rev3A_108 : vector<16xi32>
            %rev3A_110 = tpu.dynamic_gather %get3A_106[%rev3A_109] in [0] : vector<16xf32>, vector<16xi32> -> vector<16xf32>
            %mul3A_111 = arith.mulf %rev3A_110, %mul3A_79 : vector<16xf32>
            %mul3A_112 = arith.constant 16 : i32
            %mul3A_113 = arith.muli %scan3A_100, %mul3A_112 : i32
            %swap3A = arith.index_cast %mul3A_113 : i32 to index
            %swap3A_114 = tpu.vector_load %arg9[%swap3A] {strides = array<i32>} : memref<4096xf32, #tpu.memory_space<vmem>>, vector<16xf32>,
            %swap3A_115 = vector.shape_cast %swap3A_114 : vector<16xf32> to vector<16xf32>
            %swap3A_116 = vector.shape_cast %mul3A_111 : vector<16xf32> to vector<16xf32>
            tpu.vector_store %arg9[%swap3A], %swap3A_116 {strides = array<i32>} : memref<4096xf32, #tpu.memory_space<vmem>>, vector<16xf32>,
          }
          %scan3A_84 = arith.constant 256 : i32
          %mul3A_85 = arith.constant 4096 : i32
          %mul3A_86 = arith.muli %add3A_62, %mul3A_85 : i32
          "tpu.region"() ({
            %run_scoped3A = tpu.sem_alloc : memref<!tpu.dma_semaphore, #tpu.memory_space<semaphore_mem>>
            %dma_start3A = tpu.memref_slice %arg6[%mul3A_86] : memref<9961472xf32, #tpu.memory_space<hbm>> -> memref<4096xf32, #tpu.memory_space<hbm>>
            %dma_start3A_100 = tpu.memref_slice %arg6[%mul3A_86] : memref<9961472xf32, #tpu.memory_space<hbm>> -> memref<4096xf32, #tpu.memory_space<hbm>>
            tpu.enqueue_dma source(%arg9 : memref<4096xf32, #tpu.memory_space<vmem>>) target(%dma_start3A_100 : memref<4096xf32, #tpu.memory_space<hbm>>) target_semaphore(%run_scoped3A : memref<!tpu.dma_semaphore, #tpu.memory_space<semaphore_mem>>)
            %dma_wait3A = tpu.memref_slice %arg6[%mul3A_86] : memref<9961472xf32, #tpu.memory_space<hbm>> -> memref<4096xf32, #tpu.memory_space<hbm>>
            %dma_wait3A_101 = tpu.memref_slice %arg6[%mul3A_86] : memref<9961472xf32, #tpu.memory_space<hbm>> -> memref<4096xf32, #tpu.memory_space<hbm>>
            tpu.wait_dma2 semaphore(%run_scoped3A : memref<!tpu.dma_semaphore, #tpu.memory_space<semaphore_mem>>) src(%arg9 : memref<4096xf32, #tpu.memory_space<vmem>>) dst(%dma_wait3A_101 : memref<4096xf32, #tpu.memory_space<hbm>>)
            tpu.yield
          }) : () -> ()
          %mul3A_87 = arith.constant 4096 : i32
          %mul3A_88 = arith.muli %add3A_56, %mul3A_87 : i32
          "tpu.region"() ({
            %run_scoped3A = tpu.sem_alloc : memref<!tpu.dma_semaphore, #tpu.memory_space<semaphore_mem>>
            %dma_start3A = tpu.memref_slice %arg3[%mul3A_88] : memref<9961472xf32, #tpu.memory_space<hbm>> -> memref<4096xf32, #tpu.memory_space<hbm>>
            %dma_start3A_100 = tpu.memref_slice %arg3[%mul3A_88] : memref<9961472xf32, #tpu.memory_space<hbm>> -> memref<4096xf32, #tpu.memory_space<hbm>>
            tpu.enqueue_dma source(%dma_start3A_100 : memref<4096xf32, #tpu.memory_space<hbm>>) target(%arg8 : memref<4096xf32, #tpu.memory_space<vmem>>) target_semaphore(%run_scoped3A : memref<!tpu.dma_semaphore, #tpu.memory_space<semaphore_mem>>)
            %dma_wait3A = tpu.memref_slice %arg3[%mul3A_88] : memref<9961472xf32, #tpu.memory_space<hbm>> -> memref<4096xf32, #tpu.memory_space<hbm>>
            %dma_wait3A_101 = tpu.memref_slice %arg3[%mul3A_88] : memref<9961472xf32, #tpu.memory_space<hbm>> -> memref<4096xf32, #tpu.memory_space<hbm>>
            tpu.wait_dma2 semaphore(%run_scoped3A : memref<!tpu.dma_semaphore, #tpu.memory_space<semaphore_mem>>) src(%dma_wait3A_101 : memref<4096xf32, #tpu.memory_space<hbm>>) dst(%arg8 : memref<4096xf32, #tpu.memory_space<vmem>>)
            tpu.yield
          }) : () -> ()
          %broadcast_in_dim3A_89 = arith.constant 1.000000e+00 : f32
          %broadcast_in_dim3A_90 = vector.broadcast %broadcast_in_dim3A_89 : f32 to vector<16xf32>
          %mul3A_91 = vector.broadcast %select_n3A_50 : f32 to vector<16xf32>
          %mul3A_92 = arith.mulf %broadcast_in_dim3A_90, %mul3A_91 : vector<16xf32>
          %scan3A_93 = arith.constant 0 : i32
          %scan3A_94 = arith.constant 256 : i32
          %scan3A_95 = arith.addi %scan3A_93, %scan3A_94 : i32
          %scan3A_96 = arith.constant 1 : i32
          scf.for %scan3A_100 = %scan3A_93 to %scan3A_95 step %scan3A_96  : i32 {
            %xor3A_101 = arith.constant 3 : i32
            %xor3A_102 = arith.xori %scan3A_100, %xor3A_101 : i32
            %mul3A_103 = arith.constant 16 : i32
            %mul3A_104 = arith.muli %xor3A_102, %mul3A_103 : i32
            %get3A = arith.index_cast %mul3A_104 : i32 to index
            %get3A_105 = tpu.vector_load %arg8[%get3A] {strides = array<i32>} : memref<4096xf32, #tpu.memory_space<vmem>>, vector<16xf32>,
            %get3A_106 = vector.shape_cast %get3A_105 : vector<16xf32> to vector<16xf32>
            %rev3A = arith.constant 15 : i32
            %rev3A_107 = vector.broadcast %rev3A : i32 to vector<16xi32>
            %rev3A_108 = tpu.iota {dimensions = array<i32: 0>} : vector<16xi32>
            %rev3A_109 = arith.subi %rev3A_107, %rev3A_108 : vector<16xi32>
            %rev3A_110 = tpu.dynamic_gather %get3A_106[%rev3A_109] in [0] : vector<16xf32>, vector<16xi32> -> vector<16xf32>
            %mul3A_111 = arith.mulf %rev3A_110, %mul3A_92 : vector<16xf32>
            %mul3A_112 = arith.constant 16 : i32
            %mul3A_113 = arith.muli %scan3A_100, %mul3A_112 : i32
            %swap3A = arith.index_cast %mul3A_113 : i32 to index
            %swap3A_114 = tpu.vector_load %arg9[%swap3A] {strides = array<i32>} : memref<4096xf32, #tpu.memory_space<vmem>>, vector<16xf32>,
            %swap3A_115 = vector.shape_cast %swap3A_114 : vector<16xf32> to vector<16xf32>
            %swap3A_116 = vector.shape_cast %mul3A_111 : vector<16xf32> to vector<16xf32>
            tpu.vector_store %arg9[%swap3A], %swap3A_116 {strides = array<i32>} : memref<4096xf32, #tpu.memory_space<vmem>>, vector<16xf32>,
          }
          %scan3A_97 = arith.constant 256 : i32
          %mul3A_98 = arith.constant 4096 : i32
          %mul3A_99 = arith.muli %add3A_62, %mul3A_98 : i32
          "tpu.region"() ({
            %run_scoped3A = tpu.sem_alloc : memref<!tpu.dma_semaphore, #tpu.memory_space<semaphore_mem>>
            %dma_start3A = tpu.memref_slice %arg7[%mul3A_99] : memref<9961472xf32, #tpu.memory_space<hbm>> -> memref<4096xf32, #tpu.memory_space<hbm>>
            %dma_start3A_100 = tpu.memref_slice %arg7[%mul3A_99] : memref<9961472xf32, #tpu.memory_space<hbm>> -> memref<4096xf32, #tpu.memory_space<hbm>>
            tpu.enqueue_dma source(%arg9 : memref<4096xf32, #tpu.memory_space<vmem>>) target(%dma_start3A_100 : memref<4096xf32, #tpu.memory_space<hbm>>) target_semaphore(%run_scoped3A : memref<!tpu.dma_semaphore, #tpu.memory_space<semaphore_mem>>)
            %dma_wait3A = tpu.memref_slice %arg7[%mul3A_99] : memref<9961472xf32, #tpu.memory_space<hbm>> -> memref<4096xf32, #tpu.memory_space<hbm>>
            %dma_wait3A_101 = tpu.memref_slice %arg7[%mul3A_99] : memref<9961472xf32, #tpu.memory_space<hbm>> -> memref<4096xf32, #tpu.memory_space<hbm>>
            tpu.wait_dma2 semaphore(%run_scoped3A : memref<!tpu.dma_semaphore, #tpu.memory_space<semaphore_mem>>) src(%arg9 : memref<4096xf32, #tpu.memory_space<vmem>>) dst(%dma_wait3A_101 : memref<4096xf32, #tpu.memory_space<hbm>>)
            tpu.yield
          }) : () -> ()
        } else {
        }
      }
      %scan3A_18 = arith.constant 38 : i32
    }
    %scan3A_4 = arith.constant 2 : i32
    return
  }
}

</mosaic_0001>

<sc_bundles>
// kernel: kernel.3.cloned.1.call-start
scs
__scs_entry_jumppad:
0x0: {  	(pc) =	sbr.rel $0x88, $3  }
0x1: {  	(tag) =	ssettag $0x0;
	lr =	simm.s32 $0x1  }
0x2: {  	[smem:$0x3F9E] =	sst lr;
	_ =	strace $0xD0000000  }
0x3: {  	_ = 	snop  }
0x4: {  	_ = 	snop  }
0x5: {  	_ = 	snop  }
0x6: {  	_ = 	snop  }
0x7: {  	_ = 	snop  }
__scs_overlays_trampoline_lowered:
0x8: {  	[smem:$0x3FAD] =	sst s0  }
0x9: {  	[smem:$0x3FAE] =	sst s1  }
0xa: {  	[smem:$0x3FAF] =	sst s2  }
0xb: {  	[smem:$0x3FB0] =	sst s3  }
0xc: {  	[smem:$0x3FB1] =	sst s4  }
0xd: {  	[smem:$0x3FB2] =	sst s5  }
0xe: {  	[smem:$0x3FB3] =	sst s6  }
0xf: {  	[smem:$0x3FB4] =	sst s7  }
0x10: {  	[smem:$0x3FB5] =	sst s8  }
0x11: {  	[smem:$0x3FB6] =	sst s9;
	s0 =	simm.s32 @!p0 $0x0  }
0x12: {  	s1 =	sld [smem:$0x3F9C];
	s0 =	simm.s32 @p0 $0x1  }
0x13: {  	[smem:$0x3FB7] =	sst s0;
	s0 =	simm.s32 @!p1 $0x0  }
0x14: {  	s2 =	sld [smem:$0x3F9B];
	s0 =	simm.s32 @p1 $0x1  }
0x15: {  	[smem:$0x3FB8] =	sst s0;
	s0 =	simm.s32 @!p2 $0x0  }
0x16: {  	s3 =	sld [smem:$0x3FDB];
	s0 =	simm.s32 @p2 $0x1  }
0x17: {  	s4 =	simm.s32 $0x1BF5;
	[smem:$0x3FBA] =	sst s0  }
0x18: {  	s0 =	sld [smem:$0x3F9D];
	_ =	swait.ge [sflag:s4], $0x0  }
0x19: {  	s7 =	sld [smem:$0x3F9E]  }
0x1a: {  	s8 =	sadd.s32 $0xFFFFE003, lr  }
0x1b: {  	s9 =	sadd.s32 $0xFFFFFEF7, lr;
	s5 =	simm.s32 $0xFFFFFFFF;
	p2 =	slt.u32 s8, $0xFFFFF086  }
0x1c: {  	p1 =	slt.u32 s9, $0xF7A;
	s5 =	simm.s32 @!p2 $0x0  }
0x1d: {  	s5 =	simm.s32 @p1 $0x1;
	p0 =	seq.s32 s7, s2  }
0x1e: {  	s7 =	smul.u32 @!p0 $0xF7A, s2;
	p2 =	seq.s32 @!p0 s5, $0x0  }
0x1f: {  	s9 =	smul.u32 $0xF7A, s1;
	s8 =	simm.s32 @!p0 $0x1BF5;
	p2 =	por !p2, p0  }
0x20: {  	[sflag:s8] =	ssyncset.s32 @!p0 $0xFFFFF086;
	s6 =	sadd.s32 @!p0 s3, s7;
	s7 =	simm.s32 @!p0 $0x108  }
0x21: {  	s3 =	sadd.s32 s3, s9;
	s6 =	sadd.s32 @!p0 $0x88, s6;
	s7 =	simm.s32 @p2 $0x1082  }
0x22: {  	[simem:s7], [sflag:s8] =	dma.local @!p0 [hbm:s6], $0xF7A  }
0x23: {  	s9 =	sor.u32 $0xD0000000, s2;
	s6 =	simm.s32 $0x108;
	_ =	swait.ge @!p0 [sflag:s8], $0x0  }
0x24: {  	s3 =	sadd.s32 $0x88, s3;
	s6 =	simm.s32 @!p1 $0x1082;
	[sflag:s4] =	ssyncset.s32 $0xFFFFF086  }
0x25: {  	[simem:s6], [sflag:s4] =	dma.local [hbm:s3], $0xF7A  }
0x26: {  	[smem:$0x3F9E] =	sst s1;
	(tag) =	ssettag s2;
	_ =	strace s9  }
0x27: {  	s1 =	sld [smem:$0x3FAE]  }
0x28: {  	s2 =	sld [smem:$0x3FAF]  }
0x29: {  	s4 =	sld [smem:$0x3FB1]  }
0x2a: {  	p0 =	seq.s32 s5, $0x0;
	s5 =	sld [smem:$0x3FB2]  }
0x2b: {  	s6 =	sld [smem:$0x3FB3]  }
0x2c: {  	s7 =	sld [smem:$0x3FB4]  }
0x2d: {  	s3 =	simm.s32 $0x108;
	s8 =	sld [smem:$0x3FB5]  }
0x2e: {  	s3 =	simm.s32 @!p0 $0x1082;
	s9 =	sld [smem:$0x3FB6]  }
0x2f: {  	lr =	sadd.s32 s0, s3;
	s0 =	sld [smem:$0x3FAD]  }
0x30: {  	s3 =	sld [smem:$0x3FB0]  }
0x31: {  	[smem:$0x3FB9] =	sst s10  }
0x32: {  	s10 =	sld [smem:$0x3FB7];
	_ =	sdelay $0x3  }
0x33: {  	p0 =	seq.s32 s10, $0x1;
	s10 =	sld [smem:$0x3FB9];
	_ =	sdelay $0x3  }
0x34: {  	[smem:$0x3FB9] =	sst s10  }
0x35: {  	s10 =	sld [smem:$0x3FB8];
	_ =	sdelay $0x3  }
0x36: {  	p1 =	seq.s32 s10, $0x1;
	s10 =	sld [smem:$0x3FB9];
	_ =	sdelay $0x3  }
0x37: {  	[smem:$0x3FB9] =	sst s10  }
0x38: {  	s10 =	sld [smem:$0x3FBA]  }
0x39: {  	_ = 	snop;
	(pc) =	sbr.ind lr, $3  }
0x3a: {  	_ = 	snop  }
0x3b: {  	_ = 	snop  }
0x3c: {  	p2 =	seq.s32 s10, $0x1;
	s10 =	sld [smem:$0x3FB9]  }
0x3d: {  	_ =	shalt  }
0x3e: {  	_ =	shalt  }
0x3f: {  	_ =	shalt  }
0x40: {  	_ =	shalt  }
0x41: {  	_ =	shalt  }
0x42: {  	_ =	shalt  }
0x43: {  	_ =	shalt  }
0x44: {  	_ =	shalt  }
0x45: {  	_ =	shalt  }
0x46: {  	_ =	shalt  }
0x47: {  	_ =	shalt  }
0x48: {  	_ =	shalt  }
0x49: {  	_ =	shalt  }
0x4a: {  	_ =	shalt  }
0x4b: {  	_ =	shalt  }
0x4c: {  	_ =	shalt  }
0x4d: {  	_ =	shalt  }
0x4e: {  	_ =	shalt  }
0x4f: {  	_ =	shalt  }
0x50: {  	_ =	shalt  }
0x51: {  	_ =	shalt  }
0x52: {  	_ =	shalt  }
0x53: {  	_ =	shalt  }
0x54: {  	_ =	shalt  }
0x55: {  	_ =	shalt  }
0x56: {  	_ =	shalt  }
0x57: {  	_ =	shalt  }
0x58: {  	_ =	shalt  }
0x59: {  	_ =	shalt  }
0x5a: {  	_ =	shalt  }
0x5b: {  	_ =	shalt  }
0x5c: {  	_ =	shalt  }
0x5d: {  	_ =	shalt  }
0x5e: {  	_ =	shalt  }
0x5f: {  	_ =	shalt  }
0x60: {  	_ =	shalt  }
0x61: {  	_ =	shalt  }
0x62: {  	_ =	shalt  }
0x63: {  	_ =	shalt  }
0x64: {  	_ =	shalt  }
0x65: {  	_ =	shalt  }
0x66: {  	_ =	shalt  }
0x67: {  	_ =	shalt  }
0x68: {  	_ =	shalt  }
0x69: {  	_ =	shalt  }
0x6a: {  	_ =	shalt  }
0x6b: {  	_ =	shalt  }
0x6c: {  	_ =	shalt  }
0x6d: {  	_ =	shalt  }
0x6e: {  	_ =	shalt  }
0x6f: {  	_ =	shalt  }
0x70: {  	_ =	shalt  }
0x71: {  	_ =	shalt  }
0x72: {  	_ =	shalt  }
0x73: {  	_ =	shalt  }
0x74: {  	_ =	shalt  }
0x75: {  	_ =	shalt  }
0x76: {  	_ =	shalt  }
0x77: {  	_ =	shalt  }
0x78: {  	_ =	shalt  }
0x79: {  	_ =	shalt  }
0x7a: {  	_ =	shalt  }
0x7b: {  	_ =	shalt  }
0x7c: {  	_ =	shalt  }
0x7d: {  	_ =	shalt  }
0x7e: {  	_ =	shalt  }
0x7f: {  	_ =	shalt  }
0x80: {  	_ =	shalt  }
0x81: {  	_ =	shalt  }
0x82: {  	_ =	shalt  }
0x83: {  	_ =	shalt  }
0x84: {  	_ =	shalt  }
0x85: {  	_ =	shalt  }
0x86: {  	_ =	shalt  }
0x87: {  	_ =	shalt  }
.Lfunc_end0:
.L_simem_size_0:
called_computation_lowered:
.L_overlay_start_0:
0x88: {  	s2 =	sld [smem:$0x3FD9]  }
0x89: {  	s3 =	sld [smem:$0x3FFE];
	_ =	sdelay $0x1  }
0x8a: {  	s1 =	srdreg.scid  }
0x8b: {  	s0 =	sand.u32 $0x1, s1  }
0x8c: {  	s14 =	sshll.u32 s0, $0xA;
	s2 =	sadd.s32 s3, s2  }
0x8d: {  	s2 =	sadd.s32 s2, s14  }
0x8e: {  	[smem:$0x3FC5] =	sst s2  }
0x8f: {  	_ = 	snop  }
0x90: {  	s2 =	sld [smem:$0x3FD0];
	_ =	sdelay $0x2  }
0x91: {  	s15 =	simm.s32 $0xA;
	s4 =	simm.s32 $0x10  }
0x92: {  	[smem:s4], [sflag:s15] =	dma.local [hbm:s2], $0x1  }
0x93: {  	_ =	swait.eq [sflag:s15], $0x1  }
0x94: {  	s16 =	sld [smem:$0x10];
	[sflag:s15] =	ssyncset.done $0x0  }
0x95: {  	s17 =	sld [smem:$0x11];
	[sflag:s15] =	ssyncadd.s32 $0xFFFFFFFF  }
0x96: {  	s18 =	sld [smem:$0x12];
	(tm) =	ssettm $0x1  }
0x97: {  	s5 =	sld [smem:$0x3FFB];
	_ =	sdelay $0x3  }
0x98: {  	_ =	strace s5  }
0x99: {  	s5 =	sld [smem:$0x3FFC];
	_ =	sdelay $0x3  }
0x9a: {  	_ =	strace s5  }
0x9b: {  	s5 =	sld [smem:$0x3FFD];
	_ =	sdelay $0x3  }
0x9c: {  	_ =	strace s5  }
0x9d: {  	_ =	strace $0x8FFFFFFF  }
0x9e: {  	s19 =	sld [smem:$0x3FDB];
	_ =	sdelay $0x1  }
0x9f: {  	s6 =	simm.s32 $_scs_section_size  }
0xa0: {  	s7 =	simm.s32 $_size__tile_overlayer_lowered;
	s8 =	simm.s32 $_tile_overlayer_lowered  }
0xa1: {  	s22 =	simm.s32 $0x1BFF;
	s21 =	sshll.u32 s8, $0x1;
	s5 =	sadd.s32 s6, s19  }
0xa2: {  	s9 =	simm.s32 $0x0;
	s20 =	sshll.u32 s7, $0x1;
	s7 =	sadd.s32 s21, s5  }
0xa3: {  	[timem:s9], [sflag:s22] =	dma.local [hbm:s7], s20  }
0xa4: {  	_ =	swait.ge [sflag:s22], s20  }
0xa5: {  	s6 =	ssub.s32 $0x0, s20;
	[sflag:s22] =	ssyncset.done $0x0  }
0xa6: {  	[sflag:s22] =	ssyncadd.s32 s6;
	_ =	sdelay $0x1  }
0xa7: {  	s23 =	simm.s32 $0x1B8B  }
0xa8: {  	_ =	swait.ge [sflag:s23], $0x1  }
0xa9: {  	[sflag:s23] =	ssyncset.done $0x0  }
0xaa: {  	s25 =	simm.s32 $0x1B8E;
	s24 =	sld [smem:$0x3FFE];
	[sflag:s23] =	ssyncadd.s32 $0xFFFFFFFF  }
0xab: {  	s26 =	simm.s32 $execute0_lowered;
	[smem:$0x3FD2] =	sst s25  }
0xac: {  	s7 =	sshll.u32 s26, $0x1;
	_ =	strace $0x80000046;
	[dreg:$0x1] =	wrdreg $0xFFFFFFFF  }
0xad: {  	s28 =	simm.s32 $_size_execute0_lowered;
	s5 =	sadd.s32 s5, s7;
	[dreg:$0x0] =	wrdreg $0x0  }
0xae: {  	s7 =	sshll.u32 s28, $0x1;
	[dreg:$0x2] =	wrdreg s5  }
0xaf: {  	[dreg:$0x3] =	wrdreg s7  }
0xb0: {  	[dreg:$0x4] =	wrdreg $0xC0  }
0xb1: {  	_ =	task [dreg:s9], $0x5FFFF  }
0xb2: {  	[dreg:$0x1] =	wrdreg $0xFFFFFFFF  }
0xb3: {  	[dreg:$0x0] =	wrdreg $0x60  }
0xb4: {  	[dreg:$0x2] =	wrdreg s17  }
0xb5: {  	[dreg:$0x3] =	wrdreg s16  }
0xb6: {  	[dreg:$0x4] =	wrdreg s18  }
0xb7: {  	[dreg:$0x5] =	wrdreg s24  }
0xb8: {  	[dreg:$0x6] =	wrdreg $0x9  }
0xb9: {  	_ =	task.clear_ibuf [dreg:s9], $0x7FFFF;
	_ =	strace $0x90000046  }
0xba: {  	s29 =	simm.s32 $0x9;
	_ =	strace $0x80000048  }
0xbb: {  	_ =	swait.ge [sflag:s29], $0x1  }
0xbc: {  	[sflag:s29] =	ssyncadd.s32 $0xFFFFFFFF  }
0xbd: {  	_ =	strace $0x90000048  }
0xbe: {  	_ =	sfence  }
0xbf: {  	s30 =	sld [smem:$0x0];
	_ =	sdelay $0x2  }
0xc0: {  	s31 =	sshll.u32 s1, $0xD;
	s1 =	sshrl.u32 s1, $0x2  }
0xc1: {  	s3 =	sand.u32 $0x4000, s31;
	s1 =	sadd.s32 s1, s30  }
0xc2: {  	s0 =	sor.u32 s3, s0;
	s1 =	sshll.u32 s1, $0x11  }
0xc3: {  	s0 =	sor.u32 s1, s0  }
0xc4: {  	s0 =	sadd.s32 $0x8F2B, s0  }
0xc5: {  	[sflag:s0] =	ssyncadd.remote.s32 $0x1  }
0xc6: {  	_ =	sfence.sel $0xFFFF  }
0xc7: {  	[dreg:$0x0] =	wrdreg $0xFFFFFFFF;
	(pc) =	sbr.abs _section_cstart, $3  }
0xc8: {  	[dreg:$0x1] =	wrdreg $0xFFFFFFFF  }
0xc9: {  	_ =	task.clear_ibuf [dreg:s9], $0x2FFFF;
	_ =	strace $0x9FFFFFFF  }
0xca: {  	(tm) =	ssettm $0x7FFFFFFF  }
0xcb: {  	_ =	shalt  }
tec
execute0_lowered:
.L_overlay_start_1:
0x0: {  	(tag) =	ssettag $0x1  }
0x1: {  	s1 =	rddreg [dreg:$0x0]  }
0x2: {  	s2 =	rddreg [dreg:$0x1]  }
0x3: {  	s3 =	rddreg [dreg:$0x2]  }
0x4: {  	s5 =	rddreg [dreg:$0x3]  }
0x5: {  	s0 =	rddreg [dreg:$0x4]  }
0x6: {  	s4 =	simm.s32 $0x0;
	s6 =	srdreg.scid;
	s12 =	simm.s32 $0x1000  }
0x7: {  	s13 =	simm.s32 $0x3;
	s14 =	simm.s32 $0x0;
	[smem:$0x7FF] =	sst s4  }
.Ltmp0:
0x8: {  	s9 =	sand.u32 $0x1, s6;
	s6 =	sadd.s32 $0x261C00, s5;
	(pc) =	sbr.rel .LBB2_1-.Ltmp0, $4  }
0x9: {  	v0 =	vlaneseq.u32;
	s7 =	sadd.s32 $0x1C00, s5;
	s8 =	sadd.s32 $0x131C00, s5;
	s10 =	ssub.s32 $0x2, s9  }
0xa: {  	s5 =	stileid.u32;
	v0 =	vmul.u32 $0xFFFFFFFF, v0;
	_ =	strace $0x80000047;
	s11 =	sshrl.u32 s10, $0x1  }
0xb: {  	s9 =	sshll.u32 s9, $0x5;
	s31 =	sshll.u32 s5, $0x1;
	s10 =	ssub.s32 s10, s11  }
0xc: {  	s9 =	sor.u32 s31, s9;
	v0 =	vadd.s32 $0xF, v0;
	s11 =	simm.s32 $0x1;
	s10 =	smax.u32 s10, $0x1  }
.LBB2_23:
0xd: {  	s14 =	sadd.s32 $0x1, s14  }
0xe: {  	p0 =	sne.s32 s14, s10  }
.Ltmp1:
0xf: {  	_ = 	snop;
	(pc) =	sbr.rel @!p0 .LBB2_24-.Ltmp1, $1  }
0x10: {  	_ =	sdelay $0x3  }
.LBB2_1:
.Ltmp2:
0x11: {  	(pc) =	sbr.rel .LBB2_2-.Ltmp2, $2  }
0x12: {  	_ =	sdelay $0x2  }
0x13: {  	p1 =	por $0x1, $0x1;
	s15 =	simm.s32 $0x0  }
.LBB2_22:
.Ltmp3:
0x14: {  	(pc) =	sbr.rel @!p0 .LBB2_23-.Ltmp3, $2  }
0x15: {  	_ =	sdelay $0x2  }
0x16: {  	s15 =	simm.s32 $0x1;
	p1 =	por $0x0, $0x0  }
.LBB2_2:
0x17: {  	s15 =	sor.u32 s9, s15;
	p0 =	por p1, p1  }
0x18: {  	s16 =	simm.s32 $0x0;
	s17 =	simm.s32 $0x0;
	s15 =	smul.u32 $0x13, s15  }
.LBB2_3:
0x19: {  	s18 =	sadd.s32 $0xFFFFFFF3, s17  }
0x1a: {  	s18 =	sxor.u32 $0x1, s18  }
0x1b: {  	p1 =	seq.s32 s17, $0xC;
	s18 =	sadd.s32 $0xD, s18  }
0x1c: {  	p2 =	slt.u32 s17, $0xC;
	s19 =	sxor.u32 $0x1, s17;
	s18 =	simm.s32 @p1 $0xC  }
0x1d: {  	p1 =	seq.s32 s17, $0x7;
	s18 =	smov.u32 @p2 s19  }
0x1e: {  	p2 =	slt.u32 s17, $0x7;
	s19 =	sxor.u32 $0x3, s17;
	s18 =	simm.s32 @p1 $0x7  }
0x1f: {  	p1 =	seq.s32 s17, $0x4;
	s18 =	smov.u32 @p2 s19  }
0x20: {  	p2 =	slt.u32 s17, $0x4;
	s19 =	sxor.u32 $0x2, s17;
	s18 =	simm.s32 @p1 $0x4  }
0x21: {  	s18 =	smov.u32 @p2 s19  }
0x22: {  	s18 =	sadd.s32 s15, s18  }
0x23: {  	s18 =	sshll.u32 s18, $0x9  }
0x24: {  	s18 =	sand.u32 $0x1FFFFE00, s18  }
0x25: {  	s18 =	sadd.s32 s1, s18  }
0x26: {  	[tilespmem:s16], [sflag:$0x1] =	stream.linear.gather [hbm4b:s18+s16], $0x1000, $0x38;
	[tilespmem:$0x2000] =	vst v63  }
0x27: {  	_ =	swait.ge [sflag:s11], $0x1000  }
0x28: {  	[sflag:s11] =	ssyncset.done $0x0  }
0x29: {  	s30 =	sxor.u32 $0x30, s16;
	[sflag:s11] =	ssyncadd.s32 $0xFFFFF000  }
0x2a: {  	v1 =	vld [tilespmem:s30+$0x0];
	_ =	sdelay $0x4  }
0x2b: {  	v1 =	vperm.xlane v1, v0  }
0x2c: {  	s31 =	simm.s32 $0x10;
	s18 =	simm.s32 $0x1000  }
0x2d: {  	s20 =	sxor.u32 $0x30, s31;
	s19 =	simm.s32 $0x20;
	[tilespmem:s18+$0x0] =	vst v1  }
.LBB2_4:
0x2e: {  	p1 =	sne.s32 s19, $0xFF0;
	v1 =	vld [tilespmem:s20+$0x0];
	_ =	sdelay $0x2  }
.Ltmp4:
0x2f: {  	(pc) =	sbr.rel @p1 .LBB2_4-.Ltmp4, $4  }
0x30: {  	_ = 	snop  }
0x31: {  	v1 =	vperm.xlane v1, v0  }
0x32: {  	s18 =	sadd.s32 $0x10, s18  }
0x33: {  	s20 =	sxor.u32 $0x30, s19;
	s19 =	sadd.s32 $0x10, s19;
	[tilespmem:s18+$0x0] =	vst v1  }
0x34: {  	v1 =	vld [tilespmem:s20+$0x0];
	_ =	sdelay $0x4  }
0x35: {  	s19 =	sadd.s32 s15, s17;
	s17 =	sadd.s32 $0x1, s17;
	v1 =	vperm.xlane v1, v0  }
0x36: {  	s18 =	sadd.s32 $0x10, s18;
	s19 =	sshll.u32 s19, $0x9;
	p1 =	seq.s32 s17, $0x13  }
.Ltmp5:
0x37: {  	s31 =	sadd.s32 s6, s19;
	[tilespmem:s18+$0x0] =	vst v1;
	(pc) =	sbr.rel @!p1 .LBB2_3-.Ltmp5, $4  }
0x38: {  	[hbm4b:s31+s4] =	stream.linear.scatter [tilespmem:s12], [sflag:$0x1], $0x1000, $0x38;
	[tilespmem:$0x2000] =	vst v63  }
0x39: {  	_ =	swait.ge [sflag:s11], $0x1000  }
0x3a: {  	[sflag:s11] =	ssyncset.done $0x0  }
0x3b: {  	[sflag:s11] =	ssyncadd.s32 $0xFFFFF000  }
.Ltmp6:
0x3c: {  	(pc) =	sbr.rel .LBB2_7-.Ltmp6, $2  }
0x3d: {  	_ =	sdelay $0x2  }
0x3e: {  	s16 =	simm.s32 $0x0  }
.LBB2_11:
0x3f: {  	s18 =	simm.s32 $0x1000  }
.LBB2_15:
0x40: {  	v2 =	vld [tilespmem:s20+$0x0];
	_ =	sdelay $0x4  }
0x41: {  	v2 =	vperm.xlane v2, v0;
	_ =	sdelay $0x1  }
0x42: {  	s18 =	sadd.s32 @p1 $0x10, s18;
	v1 =	vmul.f32 v2, v1  }
0x43: {  	s19 =	smov.u32 @p1 s18  }
0x44: {  	s18 =	simm.s32 $0x1;
	[tilespmem:s19+$0x0] =	vst v1  }
.LBB2_21:
0x45: {  	s16 =	sadd.s32 $0x1, s16  }
0x46: {  	p1 =	sne.s32 s16, $0x26  }
.Ltmp7:
0x47: {  	s17 =	sadd.s32 s8, s17;
	(pc) =	sbr.rel @!p1 .LBB2_22-.Ltmp7, $4  }
0x48: {  	[hbm4b:s17+s4] =	stream.linear.scatter [tilespmem:s12], [sflag:s18], $0x1000, $0x38;
	[tilespmem:$0x2000] =	vst v63  }
0x49: {  	_ =	swait.ge [sflag:s18], $0x1000  }
0x4a: {  	[sflag:s18] =	ssyncset.done $0x0  }
0x4b: {  	[sflag:s18] =	ssyncadd.s32 $0xFFFFF000  }
.LBB2_7:
0x4c: {  	s17 =	sshrl.u32 s16, $0x1  }
0x4d: {  	s18 =	sadd.s32 $0xFFFFFFF3, s17  }
0x4e: {  	s18 =	sxor.u32 $0x1, s18  }
0x4f: {  	p1 =	seq.s32 s17, $0xC;
	s18 =	sadd.s32 $0xD, s18  }
0x50: {  	p2 =	slt.u32 s16, $0x18;
	s19 =	sxor.u32 $0x1, s17;
	s18 =	simm.s32 @p1 $0xC  }
0x51: {  	p1 =	seq.s32 s17, $0x7;
	s18 =	smov.u32 @p2 s19  }
0x52: {  	p2 =	slt.u32 s16, $0xE;
	s19 =	sxor.u32 $0x3, s17;
	s18 =	simm.s32 @p1 $0x7  }
0x53: {  	p1 =	seq.s32 s17, $0x4;
	s18 =	smov.u32 @p2 s19  }
0x54: {  	s18 =	simm.s32 @p1 $0x4;
	p1 =	sgt.u32 s17, $0xC  }
0x55: {  	p2 =	slt.u32 s16, $0x8;
	s19 =	sxor.u32 $0x2, s17;
	s21 =	simm.s32 @!p1 $0x1  }
0x56: {  	s20 =	sand.u32 $0x1, s16;
	s18 =	smov.u32 @p2 s19;
	s21 =	sshll.u32 @!p1 s21, s17  }
0x57: {  	p2 =	seq.s32 s20, $0x0;
	s19 =	simm.f32 $-1.000000000e+00;
	s21 =	sand.u32 @!p1 $0x1090, s21  }
0x58: {  	s19 =	simm.s32 @!p2 $0x3F800000;
	p2 =	sne.s32 @!p1 s21, $0x0  }
0x59: {  	p1 =	por p1, !p2  }
.Ltmp8:
0x5a: {  	s18 =	sadd.s32 s15, s18;
	(pc) =	sbr.rel @p1 .LBB2_16-.Ltmp8, $4  }
0x5b: {  	s18 =	sshll.u32 s18, $0xA  }
0x5c: {  	s22 =	sshll.u32 s20, $0x9;
	s17 =	sadd.s32 s15, s17;
	s18 =	sand.u32 $0x1FFFFC00, s18  }
0x5d: {  	s17 =	sshll.u32 s17, $0x1;
	s18 =	sor.u32 s22, s18  }
0x5e: {  	v1 =	vmov s19;
	s17 =	sor.u32 s20, s17;
	s19 =	sadd.s32 s3, s18  }
0x5f: {  	s20 =	simm.s32 $0x0  }
0x60: {  	[tilespmem:s20], [sflag:$0x3] =	stream.linear.gather [hbm4b:s19+s20], $0x1000, $0x38;
	[tilespmem:$0x2000] =	vst v63  }
0x61: {  	_ =	swait.ge [sflag:s13], $0x1000  }
0x62: {  	[sflag:s13] =	ssyncset.done $0x0  }
0x63: {  	s30 =	sxor.u32 $0x30, s20;
	[sflag:s13] =	ssyncadd.s32 $0xFFFFF000  }
0x64: {  	v2 =	vld [tilespmem:s30+$0x0];
	_ =	sdelay $0x4  }
0x65: {  	v2 =	vperm.xlane v2, v0;
	_ =	sdelay $0x1  }
0x66: {  	v2 =	vmul.f32 v2, v1  }
0x67: {  	s31 =	simm.s32 $0x10;
	s19 =	simm.s32 $0x1000  }
0x68: {  	s21 =	sxor.u32 $0x30, s31;
	s20 =	simm.s32 $0x20;
	[tilespmem:s19+$0x0] =	vst v2  }
.LBB2_9:
0x69: {  	p1 =	sne.s32 s20, $0xFF0;
	v2 =	vld [tilespmem:s21+$0x0];
	_ =	sdelay $0x4  }
.Ltmp9:
0x6a: {  	v2 =	vperm.xlane v2, v0;
	(pc) =	sbr.rel @p1 .LBB2_9-.Ltmp9, $4  }
0x6b: {  	_ = 	snop  }
0x6c: {  	v2 =	vmul.f32 v2, v1  }
0x6d: {  	s19 =	sadd.s32 $0x10, s19  }
0x6e: {  	s21 =	sxor.u32 $0x30, s20;
	s20 =	sadd.s32 $0x10, s20;
	[tilespmem:s19+$0x0] =	vst v2  }
0x6f: {  	v2 =	vld [tilespmem:s21+$0x0];
	_ =	sdelay $0x4  }
0x70: {  	v2 =	vperm.xlane v2, v0;
	_ =	sdelay $0x1  }
0x71: {  	s17 =	sshll.u32 s17, $0x9;
	v2 =	vmul.f32 v2, v1  }
0x72: {  	s19 =	sadd.s32 $0x10, s19;
	s17 =	sand.u32 $0x1FFFFE00, s17  }
0x73: {  	s31 =	simm.s32 $0x0;
	s20 =	sadd.s32 s7, s17;
	[tilespmem:s19+$0x0] =	vst v2;
	s19 =	simm.s32 $0x1000  }
0x74: {  	[hbm4b:s20+s31] =	stream.linear.scatter [tilespmem:s19], [sflag:$0x3], $0x1000, $0x38;
	[tilespmem:$0x2000] =	vst v63  }
0x75: {  	_ =	swait.ge [sflag:s13], $0x1000  }
0x76: {  	p2 =	por $0x0, $0x0;
	[sflag:s13] =	ssyncset.done $0x0  }
.Ltmp10:
0x77: {  	s18 =	sadd.s32 s2, s18;
	[sflag:s13] =	ssyncadd.s32 $0xFFFFF000;
	(pc) =	sbr.rel @p2 .LBB2_11-.Ltmp10, $4  }
0x78: {  	[tilespmem:s31], [sflag:$0x3] =	stream.linear.gather [hbm4b:s18+s31], $0x1000, $0x38;
	[tilespmem:$0x2000] =	vst v63  }
0x79: {  	_ =	swait.ge [sflag:s13], $0x1000  }
0x7a: {  	p1 =	por $0x0, $0x0;
	[sflag:s13] =	ssyncset.done $0x0  }
0x7b: {  	s20 =	sxor.u32 $0x30, s31;
	s18 =	simm.s32 $0x10;
	[sflag:s13] =	ssyncadd.s32 $0xFFFFF000  }
0x7c: {  	v2 =	vld [tilespmem:s20+$0x0];
	_ =	sdelay $0x3  }
0x7d: {  	p2 =	por $0x0, $0x0  }
.Ltmp11:
0x7e: {  	v2 =	vperm.xlane v2, v0;
	(pc) =	sbr.rel @p2 .LBB2_13-.Ltmp11, $4  }
0x7f: {  	_ = 	snop  }
0x80: {  	v2 =	vmul.f32 v2, v1  }
0x81: {  	s20 =	sxor.u32 $0x30, s18  }
0x82: {  	s21 =	simm.s32 $0x20;
	p1 =	por $0x1, $0x1;
	s18 =	simm.s32 $0x1000;
	[tilespmem:s19+$0x0] =	vst v2  }
.LBB2_14:
0x83: {  	p2 =	seq.s32 s21, $0xFF0;
	v2 =	vld [tilespmem:s20+$0x0];
	_ =	sdelay $0x4  }
.Ltmp12:
0x84: {  	v2 =	vperm.xlane v2, v0;
	(pc) =	sbr.rel @!p2 .LBB2_14-.Ltmp12, $4  }
0x85: {  	_ = 	snop  }
0x86: {  	v2 =	vmul.f32 v2, v1  }
0x87: {  	s18 =	sadd.s32 $0x10, s18  }
0x88: {  	s20 =	sxor.u32 $0x30, s21;
	s21 =	sadd.s32 $0x10, s21;
	[tilespmem:s18+$0x0] =	vst v2  }
.Ltmp13:
0x89: {  	_ = 	snop;
	(pc) =	sbr.rel .LBB2_15-.Ltmp13, $1  }
0x8a: {  	_ =	sdelay $0x3  }
.LBB2_16:
0x8b: {  	s18 =	sadd.s32 s2, s18;
	s20 =	simm.s32 $0x0  }
0x8c: {  	[tilespmem:s20], [sflag:$0x3] =	stream.linear.gather [hbm4b:s18+s20], $0x1000, $0x38;
	[tilespmem:$0x2000] =	vst v63  }
0x8d: {  	_ =	swait.ge [sflag:s13], $0x1000  }
0x8e: {  	[sflag:s13] =	ssyncset.done $0x0  }
0x8f: {  	s30 =	sxor.u32 $0x30, s20;
	[sflag:s13] =	ssyncadd.s32 $0xFFFFF000  }
0x90: {  	v2 =	vld [tilespmem:s30+$0x0];
	_ =	sdelay $0x4  }
0x91: {  	v2 =	vperm.xlane v2, v0;
	_ =	sdelay $0x1  }
0x92: {  	v2 =	vmul.f32 v2, v1  }
0x93: {  	s31 =	simm.s32 $0x10;
	s18 =	simm.s32 $0x1000  }
0x94: {  	s21 =	sxor.u32 $0x30, s31;
	s20 =	simm.s32 $0x20;
	[tilespmem:s18+$0x0] =	vst v2  }
.LBB2_17:
0x95: {  	p1 =	sne.s32 s20, $0xFF0;
	v2 =	vld [tilespmem:s21+$0x0];
	_ =	sdelay $0x4  }
.Ltmp14:
0x96: {  	v2 =	vperm.xlane v2, v0;
	(pc) =	sbr.rel @p1 .LBB2_17-.Ltmp14, $4  }
0x97: {  	_ = 	snop  }
0x98: {  	v2 =	vmul.f32 v2, v1  }
0x99: {  	s18 =	sadd.s32 $0x10, s18  }
0x9a: {  	s21 =	sxor.u32 $0x30, s20;
	s20 =	sadd.s32 $0x10, s20;
	[tilespmem:s18+$0x0] =	vst v2  }
0x9b: {  	v2 =	vld [tilespmem:s21+$0x0];
	_ =	sdelay $0x4  }
0x9c: {  	v2 =	vperm.xlane v2, v0;
	_ =	sdelay $0x1  }
0x9d: {  	s17 =	sshll.u32 s17, $0x9;
	v2 =	vmul.f32 v2, v1  }
0x9e: {  	s18 =	sadd.s32 $0x10, s18;
	s17 =	sand.u32 $0x1FFFFE00, s17  }
0x9f: {  	s29 =	simm.s32 $0x0;
	s20 =	sadd.s32 s7, s17;
	[tilespmem:s18+$0x0] =	vst v2;
	s18 =	simm.s32 $0x1000  }
0xa0: {  	[hbm4b:s20+s29] =	stream.linear.scatter [tilespmem:s18], [sflag:$0x3], $0x1000, $0x38;
	[tilespmem:$0x2000] =	vst v63  }
0xa1: {  	_ =	swait.ge [sflag:s13], $0x1000  }
0xa2: {  	[sflag:s13] =	ssyncset.done $0x0  }
0xa3: {  	[sflag:s13] =	ssyncadd.s32 $0xFFFFF000  }
0xa4: {  	[tilespmem:s29], [sflag:$0x3] =	stream.linear.gather [hbm4b:s19+s29], $0x1000, $0x38;
	[tilespmem:$0x2000] =	vst v63  }
0xa5: {  	_ =	swait.ge [sflag:s13], $0x1000  }
0xa6: {  	[sflag:s13] =	ssyncset.done $0x0  }
0xa7: {  	s30 =	sxor.u32 $0x30, s29;
	[sflag:s13] =	ssyncadd.s32 $0xFFFFF000  }
0xa8: {  	v2 =	vld [tilespmem:s30+$0x0];
	_ =	sdelay $0x4  }
0xa9: {  	v2 =	vperm.xlane v2, v0;
	_ =	sdelay $0x1  }
0xaa: {  	v2 =	vmul.f32 v2, v1  }
0xab: {  	s31 =	simm.s32 $0x10  }
0xac: {  	s20 =	sxor.u32 $0x30, s31;
	s19 =	simm.s32 $0x20;
	[tilespmem:s18+$0x0] =	vst v2  }
.LBB2_19:
0xad: {  	p1 =	sne.s32 s19, $0xFF0;
	v2 =	vld [tilespmem:s20+$0x0];
	_ =	sdelay $0x4  }
.Ltmp15:
0xae: {  	v2 =	vperm.xlane v2, v0;
	(pc) =	sbr.rel @p1 .LBB2_19-.Ltmp15, $4  }
0xaf: {  	_ = 	snop  }
0xb0: {  	v2 =	vmul.f32 v2, v1  }
0xb1: {  	s18 =	sadd.s32 $0x10, s18  }
0xb2: {  	s20 =	sxor.u32 $0x30, s19;
	s19 =	sadd.s32 $0x10, s19;
	[tilespmem:s18+$0x0] =	vst v2  }
0xb3: {  	v2 =	vld [tilespmem:s20+$0x0];
	_ =	sdelay $0x4  }
.Ltmp16:
0xb4: {  	v2 =	vperm.xlane v2, v0;
	(pc) =	sbr.rel .LBB2_21-.Ltmp16, $4  }
0xb5: {  	_ = 	snop  }
0xb6: {  	v1 =	vmul.f32 v2, v1  }
0xb7: {  	s18 =	sadd.s32 $0x10, s18  }
0xb8: {  	[tilespmem:s18+$0x0] =	vst v1;
	s18 =	simm.s32 $0x2  }
.LBB2_13:
.Ltmp17:
0xb9: {  	(pc) =	sbr.rel .LBB2_15-.Ltmp17, $2  }
0xba: {  	_ =	sdelay $0x2  }
0xbb: {  	s18 =	simm.s32 $0x1000  }
.LBB2_24:
0xbc: {  	_ =	sfence.sel $0x180000  }
0xbd: {  	[bflag:$0x0] =	sbarrier.arrive $0xFFFF  }
0xbe: {  	p0 =	sne.s32 s5, $0x0;
	_ =	strace $0x90000047  }
0xbf: {  	s0 =	sadd.s32 @!p0 $0x100000, s0;
	[bflag:$0x2] =	sbarrier.arrive $0xFFFF  }
0xc0: {  	[sflag:s0] =	ssyncadd.tile.s32 @!p0 $0x1;
	_ =	shalt  }
.Lfunc_end2:
_tile_overlayer_lowered:
.L_overlay_start_2:
0xc1: {  	(tag) =	ssettag $0x2  }
0xc2: {  	s0 =	rddreg [dreg:$0x0];
	s2 =	stileid.u32  }
0xc3: {  	s1 =	rddreg [dreg:$0x1];
	p0 =	sne.s32 s2, $0x0  }
0xc4: {  	s3 =	rddreg [dreg:$0x2];
	[bflag:$0x3] =	sbarrier.arrive $0xFFFF;
	s2 =	simm.s32 @!p0 $0x1C01  }
0xc5: {  	[timem:s3], [sflag:s2] =	dma.local @!p0 [hbm:s0], s1  }
0xc6: {  	s0 =	simm.s32 @!p0 $0x1  }
0xc7: {  	_ =	swait.ge @!p0 [sflag:s0], s1  }
0xc8: {  	s1 =	ssub.s32 @!p0 $0x0, s1;
	[sflag:s0] =	ssyncset.done @!p0 $0x0  }
0xc9: {  	[sflag:s0] =	ssyncadd.s32 @!p0 s1  }
0xca: {  	[bflag:$0x3] =	sbarrier.arrive $0xFFFF  }
0xcb: {  	_ =	shalt  }

</sc_bundles>
